<compile_context>
chip_gen: v7x
topology: tpu7x:2x2x1
jax: 0.10.2.dev20260603
libtpu: 0.0.44.dev20260713+nightly
codegen_flags: <defaults>
</compile_context>

<pallas_src>
import functools

import jax
import jax.numpy as jnp
from jax import lax
from jax.experimental import pallas as pl
from jax.experimental.pallas import tpu as pltpu
from jax.experimental.pallas import tpu_sc as plsc

_B = 16384
_N = 1000
_WS = 50
_ALPHA = 0.1
_EXPF = 2.0

_NC = 2
_NS = 16
_NW = _NC * _NS
_GROWS = _B * _WS // 128
_RW = _GROWS // _NW


_PW = _B * _WS // _NW
_RPW = _B // _NW
_PWP = _PW + 16


_RCH = 16
_NCH = _RPW // _RCH


def _sc_gather_body(t_hbm, es_hbm, esg_hbm, t_v, ge_v, rowbuf, buf, sem):
    c = lax.axis_index("c")
    s = lax.axis_index("s")
    wid = s * _NC + c
    base = wid * _PW
    row0 = wid * _RPW
    pltpu.sync_copy(t_hbm.at[pl.ds(base, _PW)], t_v.at[pl.ds(0, _PW)])
    lanes = lax.iota(jnp.int32, 16)
    half = jnp.full((16,), 0.5, jnp.float32)

    def chunk_step(ch, carry):
        r0 = ch * _RCH
        pltpu.async_copy(es_hbm.at[pl.ds(row0 + r0, _RCH)], rowbuf, sem).wait()

        def row_step(lr, carry2):
            lr_vec = jnp.broadcast_to(lr, (16,)).astype(jnp.int32)
            for k in range(4):
                o = (r0 + lr) * _WS + k * 16
                t = t_v[pl.ds(o, 16)]
                wv = lanes + k * 16
                m = wv < _WS
                a = jnp.where(t > 0, t - 1, _N - 1)
                a = jnp.clip(a, 0, _N - 1)
                plsc.store_scatter(buf, [a], wv, mask=m)
            for k in range(4):
                o = (r0 + lr) * _WS + k * 16
                t = t_v[pl.ds(o, 16)]
                wv = lanes + k * 16
                m = wv < _WS
                a = jnp.where(t > 0, t - 1, _N - 1)
                a = jnp.clip(a, 0, _N - 1)
                g = plsc.load_gather(buf, [a], mask=m)
                keep = (g == wv) & (t > 0) & m
                val = plsc.load_gather(rowbuf, [lr_vec, a], mask=m)
                ge_v[pl.ds(o, 16)] = jnp.where(keep, val, half)
            return carry2

        lax.fori_loop(0, _RCH, row_step, 0)
        return carry

    lax.fori_loop(0, _NCH, chunk_step, 0)
    pltpu.sync_copy(ge_v.at[pl.ds(0, _PW)], esg_hbm.at[pl.ds(base, _PW)])


def _sc_gather(t_flat, es2d):
    f = functools.partial(
        pl.kernel,
        out_type=jax.ShapeDtypeStruct((_B * _WS,), jnp.float32),
        mesh=plsc.VectorSubcoreMesh(core_axis_name="c", subcore_axis_name="s"),
        compiler_params=pltpu.CompilerParams(needs_layout_passes=False,
                                             use_tc_tiling_on_sc=True),
        scratch_types=[
            pltpu.VMEM((_PWP,), jnp.int32),
            pltpu.VMEM((_PWP,), jnp.float32),
            pltpu.VMEM((_RCH, _N), jnp.float32),
            pltpu.VMEM((_N,), jnp.int32),
            pltpu.SemaphoreType.DMA,
        ],
    )(_sc_gather_body)
    return f(t_flat, es2d)


_RD = 512


def _dense_body(es_ref, pr_ref, t_ref, out_ref):
    es = es_ref[...]
    pr = pr_ref[...]
    l1m = jnp.maximum(jnp.log1p(-es), -100.0)
    e2 = jnp.exp(_EXPF * es)
    rmax = jnp.max(pr, axis=1, keepdims=True)
    sexp = jnp.sum(jnp.exp(pr - rmax), axis=1)
    lse = jnp.sum(rmax[:, 0] + jnp.log(sexp))
    t = t_ref[...]
    wio = lax.broadcasted_iota(jnp.int32, t.shape, 1)
    keys = jnp.where(t > 0, wio * 2048 + t, jnp.int32(1 << 30))
    kmin = jnp.min(keys, axis=1, keepdims=True)
    t2 = jnp.where(kmin == (1 << 30), jnp.int32(_N - 1), (kmin & 2047) - 1)
    cio = lax.broadcasted_iota(jnp.int32, pr.shape, 1)
    psel = jnp.sum(jnp.where(cio == t2, pr, 0.0))
    lane = lax.broadcasted_iota(jnp.int32, (1, 1, 128), 2)
    out_ref[...] = jnp.where(lane == 0, jnp.sum(l1m),
                   jnp.where(lane == 1, jnp.sum(e2),
                   jnp.where(lane == 2, lse,
                   jnp.where(lane == 3, psel, 0.0))))


def _dense(es, pr, targets):
    g = _B // _RD
    return pl.pallas_call(
        _dense_body,
        grid=(g,),
        in_specs=[pl.BlockSpec((_RD, _N), lambda i: (i, 0)),
                  pl.BlockSpec((_RD, _N), lambda i: (i, 0)),
                  pl.BlockSpec((_RD, _WS), lambda i: (i, 0))],
        out_specs=pl.BlockSpec((1, 1, 128), lambda i: (i, 0, 0)),
        out_shape=jax.ShapeDtypeStruct((g, 1, 128), jnp.float32),
    )(es, pr, targets)


def _corr_body(ge_ref, dp_ref, o1_ref, o2_ref, o3_ref):
    ge = ge_ref[...]
    l1m = jnp.maximum(jnp.log1p(-ge), -100.0)
    lp = jnp.maximum(jnp.log(ge), -100.0)
    corr = jnp.sum(l1m - lp)
    dp = dp_ref[...]
    s_l1m = jnp.sum(dp[:, 0, 0])
    s_e2 = jnp.sum(dp[:, 0, 1])
    s_lse = jnp.sum(dp[:, 0, 2])
    psel = jnp.sum(dp[:, 0, 3])
    m = jnp.float32(_B * _N)
    loss1 = (corr - s_l1m) / m
    o1 = _ALPHA * (loss1 * (s_e2 / m))
    loss2 = (s_lse - psel) / _B
    o1_ref[0] = o1
    o2_ref[0] = loss2
    o3_ref[0] = o1 + loss2


def _corr(esg, dpart):
    sds = jax.ShapeDtypeStruct((1,), jnp.float32)
    return pl.pallas_call(
        _corr_body,
        in_specs=[pl.BlockSpec(memory_space=pltpu.VMEM)] * 2,
        out_specs=[pl.BlockSpec(memory_space=pltpu.SMEM)] * 3,
        out_shape=[sds, sds, sds],
    )(esg, dpart)


def kernel(enable_state, prediction, targets):
    t_flat = targets.reshape(-1)
    esg = _sc_gather(t_flat, enable_state)
    dense = _dense(enable_state, prediction, targets)
    o1, l2, o3 = _corr(esg, dense)
    return (o1[0], l2[0], o3[0])

# --- scband reference (transcript-rebuilt; emitter-appended) ---
"""Pipeline reference for scband-esfloss-22582938043056 (READ-ONLY COPY).

The authoritative reference and input builder live on the scoring server;
editing this copy changes nothing except your own understanding.
"""

import jax, jax.numpy as jnp
import numpy as np

B = 16384
N_ACT = 1000
WS = 50
ALPHA = 0.1
EXP_FACTOR = 2.0


def setup_inputs(seed: int = 0) -> dict:
    key = jax.random.key(seed)
    k1, k2, k3 = jax.random.split(key, 3)
    enable_state = jax.random.uniform(k1, (B, N_ACT), dtype=jnp.float32)
    prediction = jax.random.normal(k2, (B, N_ACT), dtype=jnp.float32)
    # values in [0, N_ACT]; 0 is padding, 1..N_ACT are activity ids
    targets = jax.random.randint(k3, (B, WS), 0, N_ACT + 1)
    return {"enable_state": enable_state, "prediction": prediction, "targets": targets}


def _create_targets_stage1(targets, n):
    b, ws = targets.shape
    act = targets - 1
    mask = (act >= 0)
    b_idx = jnp.broadcast_to(jnp.arange(b)[:, None], (b, ws)).reshape(-1)
    a_idx = jnp.clip(act, 0, n - 1).reshape(-1)
    vals = mask.reshape(-1).astype(jnp.float32)
    # scatter 1.0 at (batch, activity) for non-padding entries; max keeps zeros elsewhere
    t1 = jnp.zeros((b, n), dtype=jnp.float32).at[b_idx, a_idx].max(vals)
    return t1


def _create_targets_stage2(targets, n):
    b, ws = targets.shape
    mask = targets > 0
    idxs = jnp.broadcast_to(jnp.arange(ws)[None, :], (b, ws))
    idxs = jnp.where(mask, idxs, n + 1)
    min_idx = jnp.min(idxs, axis=1)
    min_idx = jnp.clip(min_idx, 0, ws - 1)
    t2 = targets[jnp.arange(b), min_idx] - 1
    return t2


def reference(enable_state, prediction, targets):
    n = enable_state.shape[1]
    t1 = _create_targets_stage1(targets, n)
    t2 = _create_targets_stage2(targets, n)
    # BCELoss (mean reduction), with torch-style log clamp at -100
    logp = jnp.clip(jnp.log(enable_state), -100.0, None)
    log1mp = jnp.clip(jnp.log1p(-enable_state), -100.0, None)
    bce = -(t1 * logp + (1.0 - t1) * log1mp)
    loss_stage1 = jnp.mean(bce)  # scalar
    weighted_loss_stage1 = jnp.mean(loss_stage1 * jnp.exp(EXP_FACTOR * enable_state))
    # CrossEntropyLoss (mean reduction) on logits
    logz = jax.nn.log_softmax(prediction, axis=1)
    nll = -jnp.take_along_axis(logz, t2[:, None], axis=1)[:, 0]
    loss_stage2 = jnp.mean(nll)
    total_loss = ALPHA * weighted_loss_stage1 + loss_stage2
    return (ALPHA * weighted_loss_stage1, loss_stage2, total_loss)

if __name__ == "__main__":
    import jax
    _d = setup_inputs()
    print(jax.jit(kernel)(*tuple(_d.values())))

</pallas_src>

<mosaic_0001>
#map = affine_map<(d0, d1) -> (0)>
#map1 = affine_map<(d0, d1) -> (0, 0)>
module attributes {stable_mosaic.version = 14 : i64} {
  func.func @_sc_gather_body(%arg0: i32, %arg1: i32, %arg2: memref<819200xi32, #tpu.memory_space<hbm>>, %arg3: memref<16384x1000xf32, #tpu.memory_space<hbm>>, %arg4: memref<819200xf32, #tpu.memory_space<hbm>>, %arg5: memref<25616xi32, #tpu.memory_space<vmem>>, %arg6: memref<25616xf32, #tpu.memory_space<vmem>>, %arg7: memref<16x1000xf32, #tpu.memory_space<vmem>>, %arg8: memref<1000xi32, #tpu.memory_space<vmem>>, %arg9: memref<!tpu.dma_semaphore, #tpu.memory_space<semaphore_mem>>) attributes {dimension_semantics = [#tpu.dimension_semantics<core_parallel>, #tpu.dimension_semantics<subcore_parallel>], iteration_bounds = array<i64: 2, 16>, scalar_prefetch = 0 : i64, scratch_operands = 5 : i64, tpu.core_type = #tpu.core_type<sc_vector_subcore>, window_params = [{transform_indices = #map}, {transform_indices = #map1}, {transform_indices = #map}]} {
    %mul3A = arith.constant 2 : i32
    %mul3A_0 = arith.muli %arg1, %mul3A : i32
    %add3A = arith.addi %mul3A_0, %arg0 : i32
    %mul3A_1 = arith.constant 25600 : i32
    %mul3A_2 = arith.muli %add3A, %mul3A_1 : i32
    %mul3A_3 = arith.constant 512 : i32
    %mul3A_4 = arith.muli %add3A, %mul3A_3 : i32
    "tpu.region"() ({
      %run_scoped3A = tpu.sem_alloc : memref<!tpu.dma_semaphore, #tpu.memory_space<semaphore_mem>>
      %dma_start3A = arith.constant 0 : i32
      %dma_start3A_11 = tpu.memref_slice %arg5[%dma_start3A] : memref<25616xi32, #tpu.memory_space<vmem>> -> memref<25600xi32, #tpu.memory_space<vmem>>
      %dma_start3A_12 = tpu.memref_slice %arg2[%mul3A_2] : memref<819200xi32, #tpu.memory_space<hbm>> -> memref<25600xi32, #tpu.memory_space<hbm>>
      %dma_start3A_13 = arith.constant 0 : i32
      %dma_start3A_14 = tpu.memref_slice %arg5[%dma_start3A_13] : memref<25616xi32, #tpu.memory_space<vmem>> -> memref<25600xi32, #tpu.memory_space<vmem>>
      %dma_start3A_15 = tpu.memref_slice %arg2[%mul3A_2] : memref<819200xi32, #tpu.memory_space<hbm>> -> memref<25600xi32, #tpu.memory_space<hbm>>
      tpu.enqueue_dma source(%dma_start3A_15 : memref<25600xi32, #tpu.memory_space<hbm>>) target(%dma_start3A_14 : memref<25600xi32, #tpu.memory_space<vmem>>) target_semaphore(%run_scoped3A : memref<!tpu.dma_semaphore, #tpu.memory_space<semaphore_mem>>)
      %dma_wait3A = arith.constant 0 : i32
      %dma_wait3A_16 = tpu.memref_slice %arg5[%dma_wait3A] : memref<25616xi32, #tpu.memory_space<vmem>> -> memref<25600xi32, #tpu.memory_space<vmem>>
      %dma_wait3A_17 = tpu.memref_slice %arg2[%mul3A_2] : memref<819200xi32, #tpu.memory_space<hbm>> -> memref<25600xi32, #tpu.memory_space<hbm>>
      %dma_wait3A_18 = arith.constant 0 : i32
      %dma_wait3A_19 = tpu.memref_slice %arg5[%dma_wait3A_18] : memref<25616xi32, #tpu.memory_space<vmem>> -> memref<25600xi32, #tpu.memory_space<vmem>>
      %dma_wait3A_20 = tpu.memref_slice %arg2[%mul3A_2] : memref<819200xi32, #tpu.memory_space<hbm>> -> memref<25600xi32, #tpu.memory_space<hbm>>
      tpu.wait_dma2 semaphore(%run_scoped3A : memref<!tpu.dma_semaphore, #tpu.memory_space<semaphore_mem>>) src(%dma_wait3A_20 : memref<25600xi32, #tpu.memory_space<hbm>>) dst(%dma_wait3A_19 : memref<25600xi32, #tpu.memory_space<vmem>>)
      tpu.yield
    }) : () -> ()
    %iota3A = tpu.iota {dimensions = array<i32: 0>} : vector<16xi32>
    %broadcast_in_dim3A = arith.constant 5.000000e-01 : f32
    %broadcast_in_dim3A_5 = vector.broadcast %broadcast_in_dim3A : f32 to vector<16xf32>
    %scan3A = arith.constant 0 : i32
    %scan3A_6 = arith.constant 0 : i32
    %scan3A_7 = arith.constant 32 : i32
    %scan3A_8 = arith.addi %scan3A_6, %scan3A_7 : i32
    %scan3A_9 = arith.constant 1 : i32
    scf.for %scan3A_11 = %scan3A_6 to %scan3A_8 step %scan3A_9  : i32 {
      %mul3A_12 = arith.constant 16 : i32
      %mul3A_13 = arith.muli %scan3A_11, %mul3A_12 : i32
      %add3A_14 = arith.addi %mul3A_4, %mul3A_13 : i32
      %dma_start3A = arith.constant 0 : i32
      %dma_start3A_15 = tpu.memref_slice %arg3[%add3A_14, %dma_start3A] : memref<16384x1000xf32, #tpu.memory_space<hbm>> -> memref<16x1000xf32, #tpu.memory_space<hbm>>
      %dma_start3A_16 = arith.constant 0 : i32
      %dma_start3A_17 = tpu.memref_slice %arg3[%add3A_14, %dma_start3A_16] : memref<16384x1000xf32, #tpu.memory_space<hbm>> -> memref<16x1000xf32, #tpu.memory_space<hbm>>
      tpu.enqueue_dma source(%dma_start3A_17 : memref<16x1000xf32, #tpu.memory_space<hbm>>) target(%arg7 : memref<16x1000xf32, #tpu.memory_space<vmem>>) target_semaphore(%arg9 : memref<!tpu.dma_semaphore, #tpu.memory_space<semaphore_mem>>)
      %dma_wait3A = arith.constant 0 : i32
      %dma_wait3A_18 = tpu.memref_slice %arg3[%add3A_14, %dma_wait3A] : memref<16384x1000xf32, #tpu.memory_space<hbm>> -> memref<16x1000xf32, #tpu.memory_space<hbm>>
      %dma_wait3A_19 = arith.constant 0 : i32
      %dma_wait3A_20 = tpu.memref_slice %arg3[%add3A_14, %dma_wait3A_19] : memref<16384x1000xf32, #tpu.memory_space<hbm>> -> memref<16x1000xf32, #tpu.memory_space<hbm>>
      tpu.wait_dma2 semaphore(%arg9 : memref<!tpu.dma_semaphore, #tpu.memory_space<semaphore_mem>>) src(%dma_wait3A_20 : memref<16x1000xf32, #tpu.memory_space<hbm>>) dst(%arg7 : memref<16x1000xf32, #tpu.memory_space<vmem>>)
      %scan3A_21 = arith.constant 0 : i32
      %scan3A_22 = arith.constant 0 : i32
      %scan3A_23 = arith.constant 16 : i32
      %scan3A_24 = arith.addi %scan3A_22, %scan3A_23 : i32
      %scan3A_25 = arith.constant 1 : i32
      scf.for %scan3A_27 = %scan3A_22 to %scan3A_24 step %scan3A_25  : i32 {
        %broadcast_in_dim3A_28 = vector.broadcast %scan3A_27 : i32 to vector<16xi32>
        %add3A_29 = arith.addi %mul3A_13, %scan3A_27 : i32
        %mul3A_30 = arith.constant 50 : i32
        %mul3A_31 = arith.muli %add3A_29, %mul3A_30 : i32
        %add3A_32 = arith.constant 0 : i32
        %add3A_33 = arith.addi %mul3A_31, %add3A_32 : i32
        %get3A = arith.index_cast %add3A_33 : i32 to index
        %get3A_34 = tpu.vector_load %arg5[%get3A] {strides = array<i32>} : memref<25616xi32, #tpu.memory_space<vmem>>, vector<16xi32>,
        %add3A_35 = arith.constant 0 : i32
        %add3A_36 = vector.broadcast %add3A_35 : i32 to vector<16xi32>
        %add3A_37 = arith.addi %iota3A, %add3A_36 : vector<16xi32>
        %lt3A = arith.constant 50 : i32
        %lt3A_38 = vector.broadcast %lt3A : i32 to vector<16xi32>
        %lt3A_39 = arith.cmpi slt, %add3A_37, %lt3A_38 : vector<16xi32>
        %gt3A = arith.constant 0 : i32
        %gt3A_40 = vector.broadcast %gt3A : i32 to vector<16xi32>
        %gt3A_41 = arith.cmpi sgt, %get3A_34, %gt3A_40 : vector<16xi32>
        %sub3A = arith.constant 1 : i32
        %sub3A_42 = vector.broadcast %sub3A : i32 to vector<16xi32>
        %sub3A_43 = arith.subi %get3A_34, %sub3A_42 : vector<16xi32>
        %jit3A = arith.constant 999 : i32
        %broadcast_in_dim3A_44 = vector.broadcast %jit3A : i32 to vector<16xi32>
        %select_n3A = arith.select %gt3A_41, %sub3A_43, %broadcast_in_dim3A_44 : vector<16xi1>, vector<16xi32>
        %jit3A_45 = arith.constant 0 : i32
        %jit3A_46 = arith.constant 999 : i32
        %max3A = vector.broadcast %jit3A_45 : i32 to vector<16xi32>
        %max3A_47 = arith.maxsi %max3A, %select_n3A : vector<16xi32>
        %min3A = vector.broadcast %jit3A_46 : i32 to vector<16xi32>
        %min3A_48 = arith.minsi %min3A, %max3A_47 : vector<16xi32>
        tpu.vector_store_idx %arg8[%min3A_48], %add3A_37 masked %lt3A_39 : memref<1000xi32, #tpu.memory_space<vmem>>[vector<16xi32>], vector<16xi32>, vector<16xi1>
        %add3A_49 = arith.addi %mul3A_13, %scan3A_27 : i32
        %mul3A_50 = arith.constant 50 : i32
        %mul3A_51 = arith.muli %add3A_49, %mul3A_50 : i32
        %add3A_52 = arith.constant 16 : i32
        %add3A_53 = arith.addi %mul3A_51, %add3A_52 : i32
        %get3A_54 = arith.index_cast %add3A_53 : i32 to index
        %get3A_55 = tpu.vector_load %arg5[%get3A_54] {strides = array<i32>} : memref<25616xi32, #tpu.memory_space<vmem>>, vector<16xi32>,
        %add3A_56 = arith.constant 16 : i32
        %add3A_57 = vector.broadcast %add3A_56 : i32 to vector<16xi32>
        %add3A_58 = arith.addi %iota3A, %add3A_57 : vector<16xi32>
        %lt3A_59 = arith.constant 50 : i32
        %lt3A_60 = vector.broadcast %lt3A_59 : i32 to vector<16xi32>
        %lt3A_61 = arith.cmpi slt, %add3A_58, %lt3A_60 : vector<16xi32>
        %gt3A_62 = arith.constant 0 : i32
        %gt3A_63 = vector.broadcast %gt3A_62 : i32 to vector<16xi32>
        %gt3A_64 = arith.cmpi sgt, %get3A_55, %gt3A_63 : vector<16xi32>
        %sub3A_65 = arith.constant 1 : i32
        %sub3A_66 = vector.broadcast %sub3A_65 : i32 to vector<16xi32>
        %sub3A_67 = arith.subi %get3A_55, %sub3A_66 : vector<16xi32>
        %jit3A_68 = arith.constant 999 : i32
        %broadcast_in_dim3A_69 = vector.broadcast %jit3A_68 : i32 to vector<16xi32>
        %select_n3A_70 = arith.select %gt3A_64, %sub3A_67, %broadcast_in_dim3A_69 : vector<16xi1>, vector<16xi32>
        %jit3A_71 = arith.constant 0 : i32
        %jit3A_72 = arith.constant 999 : i32
        %max3A_73 = vector.broadcast %jit3A_71 : i32 to vector<16xi32>
        %max3A_74 = arith.maxsi %max3A_73, %select_n3A_70 : vector<16xi32>
        %min3A_75 = vector.broadcast %jit3A_72 : i32 to vector<16xi32>
        %min3A_76 = arith.minsi %min3A_75, %max3A_74 : vector<16xi32>
        tpu.vector_store_idx %arg8[%min3A_76], %add3A_58 masked %lt3A_61 : memref<1000xi32, #tpu.memory_space<vmem>>[vector<16xi32>], vector<16xi32>, vector<16xi1>
        %add3A_77 = arith.addi %mul3A_13, %scan3A_27 : i32
        %mul3A_78 = arith.constant 50 : i32
        %mul3A_79 = arith.muli %add3A_77, %mul3A_78 : i32
        %add3A_80 = arith.constant 32 : i32
        %add3A_81 = arith.addi %mul3A_79, %add3A_80 : i32
        %get3A_82 = arith.index_cast %add3A_81 : i32 to index
        %get3A_83 = tpu.vector_load %arg5[%get3A_82] {strides = array<i32>} : memref<25616xi32, #tpu.memory_space<vmem>>, vector<16xi32>,
        %add3A_84 = arith.constant 32 : i32
        %add3A_85 = vector.broadcast %add3A_84 : i32 to vector<16xi32>
        %add3A_86 = arith.addi %iota3A, %add3A_85 : vector<16xi32>
        %lt3A_87 = arith.constant 50 : i32
        %lt3A_88 = vector.broadcast %lt3A_87 : i32 to vector<16xi32>
        %lt3A_89 = arith.cmpi slt, %add3A_86, %lt3A_88 : vector<16xi32>
        %gt3A_90 = arith.constant 0 : i32
        %gt3A_91 = vector.broadcast %gt3A_90 : i32 to vector<16xi32>
        %gt3A_92 = arith.cmpi sgt, %get3A_83, %gt3A_91 : vector<16xi32>
        %sub3A_93 = arith.constant 1 : i32
        %sub3A_94 = vector.broadcast %sub3A_93 : i32 to vector<16xi32>
        %sub3A_95 = arith.subi %get3A_83, %sub3A_94 : vector<16xi32>
        %jit3A_96 = arith.constant 999 : i32
        %broadcast_in_dim3A_97 = vector.broadcast %jit3A_96 : i32 to vector<16xi32>
        %select_n3A_98 = arith.select %gt3A_92, %sub3A_95, %broadcast_in_dim3A_97 : vector<16xi1>, vector<16xi32>
        %jit3A_99 = arith.constant 0 : i32
        %jit3A_100 = arith.constant 999 : i32
        %max3A_101 = vector.broadcast %jit3A_99 : i32 to vector<16xi32>
        %max3A_102 = arith.maxsi %max3A_101, %select_n3A_98 : vector<16xi32>
        %min3A_103 = vector.broadcast %jit3A_100 : i32 to vector<16xi32>
        %min3A_104 = arith.minsi %min3A_103, %max3A_102 : vector<16xi32>
        tpu.vector_store_idx %arg8[%min3A_104], %add3A_86 masked %lt3A_89 : memref<1000xi32, #tpu.memory_space<vmem>>[vector<16xi32>], vector<16xi32>, vector<16xi1>
        %add3A_105 = arith.addi %mul3A_13, %scan3A_27 : i32
        %mul3A_106 = arith.constant 50 : i32
        %mul3A_107 = arith.muli %add3A_105, %mul3A_106 : i32
        %add3A_108 = arith.constant 48 : i32
        %add3A_109 = arith.addi %mul3A_107, %add3A_108 : i32
        %get3A_110 = arith.index_cast %add3A_109 : i32 to index
        %get3A_111 = tpu.vector_load %arg5[%get3A_110] {strides = array<i32>} : memref<25616xi32, #tpu.memory_space<vmem>>, vector<16xi32>,
        %add3A_112 = arith.constant 48 : i32
        %add3A_113 = vector.broadcast %add3A_112 : i32 to vector<16xi32>
        %add3A_114 = arith.addi %iota3A, %add3A_113 : vector<16xi32>
        %lt3A_115 = arith.constant 50 : i32
        %lt3A_116 = vector.broadcast %lt3A_115 : i32 to vector<16xi32>
        %lt3A_117 = arith.cmpi slt, %add3A_114, %lt3A_116 : vector<16xi32>
        %gt3A_118 = arith.constant 0 : i32
        %gt3A_119 = vector.broadcast %gt3A_118 : i32 to vector<16xi32>
        %gt3A_120 = arith.cmpi sgt, %get3A_111, %gt3A_119 : vector<16xi32>
        %sub3A_121 = arith.constant 1 : i32
        %sub3A_122 = vector.broadcast %sub3A_121 : i32 to vector<16xi32>
        %sub3A_123 = arith.subi %get3A_111, %sub3A_122 : vector<16xi32>
        %jit3A_124 = arith.constant 999 : i32
        %broadcast_in_dim3A_125 = vector.broadcast %jit3A_124 : i32 to vector<16xi32>
        %select_n3A_126 = arith.select %gt3A_120, %sub3A_123, %broadcast_in_dim3A_125 : vector<16xi1>, vector<16xi32>
        %jit3A_127 = arith.constant 0 : i32
        %jit3A_128 = arith.constant 999 : i32
        %max3A_129 = vector.broadcast %jit3A_127 : i32 to vector<16xi32>
        %max3A_130 = arith.maxsi %max3A_129, %select_n3A_126 : vector<16xi32>
        %min3A_131 = vector.broadcast %jit3A_128 : i32 to vector<16xi32>
        %min3A_132 = arith.minsi %min3A_131, %max3A_130 : vector<16xi32>
        tpu.vector_store_idx %arg8[%min3A_132], %add3A_114 masked %lt3A_117 : memref<1000xi32, #tpu.memory_space<vmem>>[vector<16xi32>], vector<16xi32>, vector<16xi1>
        %add3A_133 = arith.addi %mul3A_13, %scan3A_27 : i32
        %mul3A_134 = arith.constant 50 : i32
        %mul3A_135 = arith.muli %add3A_133, %mul3A_134 : i32
        %add3A_136 = arith.constant 0 : i32
        %add3A_137 = arith.addi %mul3A_135, %add3A_136 : i32
        %get3A_138 = arith.index_cast %add3A_137 : i32 to index
        %get3A_139 = tpu.vector_load %arg5[%get3A_138] {strides = array<i32>} : memref<25616xi32, #tpu.memory_space<vmem>>, vector<16xi32>,
        %add3A_140 = arith.constant 0 : i32
        %add3A_141 = vector.broadcast %add3A_140 : i32 to vector<16xi32>
        %add3A_142 = arith.addi %iota3A, %add3A_141 : vector<16xi32>
        %lt3A_143 = arith.constant 50 : i32
        %lt3A_144 = vector.broadcast %lt3A_143 : i32 to vector<16xi32>
        %lt3A_145 = arith.cmpi slt, %add3A_142, %lt3A_144 : vector<16xi32>
        %gt3A_146 = arith.constant 0 : i32
        %gt3A_147 = vector.broadcast %gt3A_146 : i32 to vector<16xi32>
        %gt3A_148 = arith.cmpi sgt, %get3A_139, %gt3A_147 : vector<16xi32>
        %sub3A_149 = arith.constant 1 : i32
        %sub3A_150 = vector.broadcast %sub3A_149 : i32 to vector<16xi32>
        %sub3A_151 = arith.subi %get3A_139, %sub3A_150 : vector<16xi32>
        %jit3A_152 = arith.constant 999 : i32
        %broadcast_in_dim3A_153 = vector.broadcast %jit3A_152 : i32 to vector<16xi32>
        %select_n3A_154 = arith.select %gt3A_148, %sub3A_151, %broadcast_in_dim3A_153 : vector<16xi1>, vector<16xi32>
        %jit3A_155 = arith.constant 0 : i32
        %jit3A_156 = arith.constant 999 : i32
        %max3A_157 = vector.broadcast %jit3A_155 : i32 to vector<16xi32>
        %max3A_158 = arith.maxsi %max3A_157, %select_n3A_154 : vector<16xi32>
        %min3A_159 = vector.broadcast %jit3A_156 : i32 to vector<16xi32>
        %min3A_160 = arith.minsi %min3A_159, %max3A_158 : vector<16xi32>
        %gather3A = tpu.vector_load_idx %arg8[%min3A_160] masked %lt3A_145 : memref<1000xi32, #tpu.memory_space<vmem>>[vector<16xi32>], vector<16xi32>, vector<16xi1>
        %eq3A = arith.cmpi eq, %gather3A, %add3A_142 : vector<16xi32>
        %gt3A_161 = arith.constant 0 : i32
        %gt3A_162 = vector.broadcast %gt3A_161 : i32 to vector<16xi32>
        %gt3A_163 = arith.cmpi sgt, %get3A_139, %gt3A_162 : vector<16xi32>
        %and3A = arith.andi %eq3A, %gt3A_163 : vector<16xi1>
        %and3A_164 = arith.andi %and3A, %lt3A_145 : vector<16xi1>
        %gather3A_165 = tpu.vector_load_idx %arg7[%broadcast_in_dim3A_28, %min3A_160] masked %lt3A_145 : memref<16x1000xf32, #tpu.memory_space<vmem>>[vector<16xi32>, vector<16xi32>], vector<16xf32>, vector<16xi1>
        %select_n3A_166 = arith.select %and3A_164, %gather3A_165, %broadcast_in_dim3A_5 : vector<16xi1>, vector<16xf32>
        %swap3A = arith.index_cast %add3A_137 : i32 to index
        %swap3A_167 = tpu.vector_load %arg6[%swap3A] {strides = array<i32>} : memref<25616xf32, #tpu.memory_space<vmem>>, vector<16xf32>,
        tpu.vector_store %arg6[%swap3A], %select_n3A_166 {strides = array<i32>} : memref<25616xf32, #tpu.memory_space<vmem>>, vector<16xf32>,
        %add3A_168 = arith.addi %mul3A_13, %scan3A_27 : i32
        %mul3A_169 = arith.constant 50 : i32
        %mul3A_170 = arith.muli %add3A_168, %mul3A_169 : i32
        %add3A_171 = arith.constant 16 : i32
        %add3A_172 = arith.addi %mul3A_170, %add3A_171 : i32
        %get3A_173 = arith.index_cast %add3A_172 : i32 to index
        %get3A_174 = tpu.vector_load %arg5[%get3A_173] {strides = array<i32>} : memref<25616xi32, #tpu.memory_space<vmem>>, vector<16xi32>,
        %add3A_175 = arith.constant 16 : i32
        %add3A_176 = vector.broadcast %add3A_175 : i32 to vector<16xi32>
        %add3A_177 = arith.addi %iota3A, %add3A_176 : vector<16xi32>
        %lt3A_178 = arith.constant 50 : i32
        %lt3A_179 = vector.broadcast %lt3A_178 : i32 to vector<16xi32>
        %lt3A_180 = arith.cmpi slt, %add3A_177, %lt3A_179 : vector<16xi32>
        %gt3A_181 = arith.constant 0 : i32
        %gt3A_182 = vector.broadcast %gt3A_181 : i32 to vector<16xi32>
        %gt3A_183 = arith.cmpi sgt, %get3A_174, %gt3A_182 : vector<16xi32>
        %sub3A_184 = arith.constant 1 : i32
        %sub3A_185 = vector.broadcast %sub3A_184 : i32 to vector<16xi32>
        %sub3A_186 = arith.subi %get3A_174, %sub3A_185 : vector<16xi32>
        %jit3A_187 = arith.constant 999 : i32
        %broadcast_in_dim3A_188 = vector.broadcast %jit3A_187 : i32 to vector<16xi32>
        %select_n3A_189 = arith.select %gt3A_183, %sub3A_186, %broadcast_in_dim3A_188 : vector<16xi1>, vector<16xi32>
        %jit3A_190 = arith.constant 0 : i32
        %jit3A_191 = arith.constant 999 : i32
        %max3A_192 = vector.broadcast %jit3A_190 : i32 to vector<16xi32>
        %max3A_193 = arith.maxsi %max3A_192, %select_n3A_189 : vector<16xi32>
        %min3A_194 = vector.broadcast %jit3A_191 : i32 to vector<16xi32>
        %min3A_195 = arith.minsi %min3A_194, %max3A_193 : vector<16xi32>
        %gather3A_196 = tpu.vector_load_idx %arg8[%min3A_195] masked %lt3A_180 : memref<1000xi32, #tpu.memory_space<vmem>>[vector<16xi32>], vector<16xi32>, vector<16xi1>
        %eq3A_197 = arith.cmpi eq, %gather3A_196, %add3A_177 : vector<16xi32>
        %gt3A_198 = arith.constant 0 : i32
        %gt3A_199 = vector.broadcast %gt3A_198 : i32 to vector<16xi32>
        %gt3A_200 = arith.cmpi sgt, %get3A_174, %gt3A_199 : vector<16xi32>
        %and3A_201 = arith.andi %eq3A_197, %gt3A_200 : vector<16xi1>
        %and3A_202 = arith.andi %and3A_201, %lt3A_180 : vector<16xi1>
        %gather3A_203 = tpu.vector_load_idx %arg7[%broadcast_in_dim3A_28, %min3A_195] masked %lt3A_180 : memref<16x1000xf32, #tpu.memory_space<vmem>>[vector<16xi32>, vector<16xi32>], vector<16xf32>, vector<16xi1>
        %select_n3A_204 = arith.select %and3A_202, %gather3A_203, %broadcast_in_dim3A_5 : vector<16xi1>, vector<16xf32>
        %swap3A_205 = arith.index_cast %add3A_172 : i32 to index
        %swap3A_206 = tpu.vector_load %arg6[%swap3A_205] {strides = array<i32>} : memref<25616xf32, #tpu.memory_space<vmem>>, vector<16xf32>,
        tpu.vector_store %arg6[%swap3A_205], %select_n3A_204 {strides = array<i32>} : memref<25616xf32, #tpu.memory_space<vmem>>, vector<16xf32>,
        %add3A_207 = arith.addi %mul3A_13, %scan3A_27 : i32
        %mul3A_208 = arith.constant 50 : i32
        %mul3A_209 = arith.muli %add3A_207, %mul3A_208 : i32
        %add3A_210 = arith.constant 32 : i32
        %add3A_211 = arith.addi %mul3A_209, %add3A_210 : i32
        %get3A_212 = arith.index_cast %add3A_211 : i32 to index
        %get3A_213 = tpu.vector_load %arg5[%get3A_212] {strides = array<i32>} : memref<25616xi32, #tpu.memory_space<vmem>>, vector<16xi32>,
        %add3A_214 = arith.constant 32 : i32
        %add3A_215 = vector.broadcast %add3A_214 : i32 to vector<16xi32>
        %add3A_216 = arith.addi %iota3A, %add3A_215 : vector<16xi32>
        %lt3A_217 = arith.constant 50 : i32
        %lt3A_218 = vector.broadcast %lt3A_217 : i32 to vector<16xi32>
        %lt3A_219 = arith.cmpi slt, %add3A_216, %lt3A_218 : vector<16xi32>
        %gt3A_220 = arith.constant 0 : i32
        %gt3A_221 = vector.broadcast %gt3A_220 : i32 to vector<16xi32>
        %gt3A_222 = arith.cmpi sgt, %get3A_213, %gt3A_221 : vector<16xi32>
        %sub3A_223 = arith.constant 1 : i32
        %sub3A_224 = vector.broadcast %sub3A_223 : i32 to vector<16xi32>
        %sub3A_225 = arith.subi %get3A_213, %sub3A_224 : vector<16xi32>
        %jit3A_226 = arith.constant 999 : i32
        %broadcast_in_dim3A_227 = vector.broadcast %jit3A_226 : i32 to vector<16xi32>
        %select_n3A_228 = arith.select %gt3A_222, %sub3A_225, %broadcast_in_dim3A_227 : vector<16xi1>, vector<16xi32>
        %jit3A_229 = arith.constant 0 : i32
        %jit3A_230 = arith.constant 999 : i32
        %max3A_231 = vector.broadcast %jit3A_229 : i32 to vector<16xi32>
        %max3A_232 = arith.maxsi %max3A_231, %select_n3A_228 : vector<16xi32>
        %min3A_233 = vector.broadcast %jit3A_230 : i32 to vector<16xi32>
        %min3A_234 = arith.minsi %min3A_233, %max3A_232 : vector<16xi32>
        %gather3A_235 = tpu.vector_load_idx %arg8[%min3A_234] masked %lt3A_219 : memref<1000xi32, #tpu.memory_space<vmem>>[vector<16xi32>], vector<16xi32>, vector<16xi1>
        %eq3A_236 = arith.cmpi eq, %gather3A_235, %add3A_216 : vector<16xi32>
        %gt3A_237 = arith.constant 0 : i32
        %gt3A_238 = vector.broadcast %gt3A_237 : i32 to vector<16xi32>
        %gt3A_239 = arith.cmpi sgt, %get3A_213, %gt3A_238 : vector<16xi32>
        %and3A_240 = arith.andi %eq3A_236, %gt3A_239 : vector<16xi1>
        %and3A_241 = arith.andi %and3A_240, %lt3A_219 : vector<16xi1>
        %gather3A_242 = tpu.vector_load_idx %arg7[%broadcast_in_dim3A_28, %min3A_234] masked %lt3A_219 : memref<16x1000xf32, #tpu.memory_space<vmem>>[vector<16xi32>, vector<16xi32>], vector<16xf32>, vector<16xi1>
        %select_n3A_243 = arith.select %and3A_241, %gather3A_242, %broadcast_in_dim3A_5 : vector<16xi1>, vector<16xf32>
        %swap3A_244 = arith.index_cast %add3A_211 : i32 to index
        %swap3A_245 = tpu.vector_load %arg6[%swap3A_244] {strides = array<i32>} : memref<25616xf32, #tpu.memory_space<vmem>>, vector<16xf32>,
        tpu.vector_store %arg6[%swap3A_244], %select_n3A_243 {strides = array<i32>} : memref<25616xf32, #tpu.memory_space<vmem>>, vector<16xf32>,
        %add3A_246 = arith.addi %mul3A_13, %scan3A_27 : i32
        %mul3A_247 = arith.constant 50 : i32
        %mul3A_248 = arith.muli %add3A_246, %mul3A_247 : i32
        %add3A_249 = arith.constant 48 : i32
        %add3A_250 = arith.addi %mul3A_248, %add3A_249 : i32
        %get3A_251 = arith.index_cast %add3A_250 : i32 to index
        %get3A_252 = tpu.vector_load %arg5[%get3A_251] {strides = array<i32>} : memref<25616xi32, #tpu.memory_space<vmem>>, vector<16xi32>,
        %add3A_253 = arith.constant 48 : i32
        %add3A_254 = vector.broadcast %add3A_253 : i32 to vector<16xi32>
        %add3A_255 = arith.addi %iota3A, %add3A_254 : vector<16xi32>
        %lt3A_256 = arith.constant 50 : i32
        %lt3A_257 = vector.broadcast %lt3A_256 : i32 to vector<16xi32>
        %lt3A_258 = arith.cmpi slt, %add3A_255, %lt3A_257 : vector<16xi32>
        %gt3A_259 = arith.constant 0 : i32
        %gt3A_260 = vector.broadcast %gt3A_259 : i32 to vector<16xi32>
        %gt3A_261 = arith.cmpi sgt, %get3A_252, %gt3A_260 : vector<16xi32>
        %sub3A_262 = arith.constant 1 : i32
        %sub3A_263 = vector.broadcast %sub3A_262 : i32 to vector<16xi32>
        %sub3A_264 = arith.subi %get3A_252, %sub3A_263 : vector<16xi32>
        %jit3A_265 = arith.constant 999 : i32
        %broadcast_in_dim3A_266 = vector.broadcast %jit3A_265 : i32 to vector<16xi32>
        %select_n3A_267 = arith.select %gt3A_261, %sub3A_264, %broadcast_in_dim3A_266 : vector<16xi1>, vector<16xi32>
        %jit3A_268 = arith.constant 0 : i32
        %jit3A_269 = arith.constant 999 : i32
        %max3A_270 = vector.broadcast %jit3A_268 : i32 to vector<16xi32>
        %max3A_271 = arith.maxsi %max3A_270, %select_n3A_267 : vector<16xi32>
        %min3A_272 = vector.broadcast %jit3A_269 : i32 to vector<16xi32>
        %min3A_273 = arith.minsi %min3A_272, %max3A_271 : vector<16xi32>
        %gather3A_274 = tpu.vector_load_idx %arg8[%min3A_273] masked %lt3A_258 : memref<1000xi32, #tpu.memory_space<vmem>>[vector<16xi32>], vector<16xi32>, vector<16xi1>
        %eq3A_275 = arith.cmpi eq, %gather3A_274, %add3A_255 : vector<16xi32>
        %gt3A_276 = arith.constant 0 : i32
        %gt3A_277 = vector.broadcast %gt3A_276 : i32 to vector<16xi32>
        %gt3A_278 = arith.cmpi sgt, %get3A_252, %gt3A_277 : vector<16xi32>
        %and3A_279 = arith.andi %eq3A_275, %gt3A_278 : vector<16xi1>
        %and3A_280 = arith.andi %and3A_279, %lt3A_258 : vector<16xi1>
        %gather3A_281 = tpu.vector_load_idx %arg7[%broadcast_in_dim3A_28, %min3A_273] masked %lt3A_258 : memref<16x1000xf32, #tpu.memory_space<vmem>>[vector<16xi32>, vector<16xi32>], vector<16xf32>, vector<16xi1>
        %select_n3A_282 = arith.select %and3A_280, %gather3A_281, %broadcast_in_dim3A_5 : vector<16xi1>, vector<16xf32>
        %swap3A_283 = arith.index_cast %add3A_250 : i32 to index
        %swap3A_284 = tpu.vector_load %arg6[%swap3A_283] {strides = array<i32>} : memref<25616xf32, #tpu.memory_space<vmem>>, vector<16xf32>,
        tpu.vector_store %arg6[%swap3A_283], %select_n3A_282 {strides = array<i32>} : memref<25616xf32, #tpu.memory_space<vmem>>, vector<16xf32>,
      }
      %scan3A_26 = arith.constant 16 : i32
    }
    %scan3A_10 = arith.constant 32 : i32
    "tpu.region"() ({
      %run_scoped3A = tpu.sem_alloc : memref<!tpu.dma_semaphore, #tpu.memory_space<semaphore_mem>>
      %dma_start3A = arith.constant 0 : i32
      %dma_start3A_11 = tpu.memref_slice %arg6[%dma_start3A] : memref<25616xf32, #tpu.memory_space<vmem>> -> memref<25600xf32, #tpu.memory_space<vmem>>
      %dma_start3A_12 = tpu.memref_slice %arg4[%mul3A_2] : memref<819200xf32, #tpu.memory_space<hbm>> -> memref<25600xf32, #tpu.memory_space<hbm>>
      %dma_start3A_13 = tpu.memref_slice %arg4[%mul3A_2] : memref<819200xf32, #tpu.memory_space<hbm>> -> memref<25600xf32, #tpu.memory_space<hbm>>
      %dma_start3A_14 = arith.constant 0 : i32
      %dma_start3A_15 = tpu.memref_slice %arg6[%dma_start3A_14] : memref<25616xf32, #tpu.memory_space<vmem>> -> memref<25600xf32, #tpu.memory_space<vmem>>
      tpu.enqueue_dma source(%dma_start3A_15 : memref<25600xf32, #tpu.memory_space<vmem>>) target(%dma_start3A_13 : memref<25600xf32, #tpu.memory_space<hbm>>) target_semaphore(%run_scoped3A : memref<!tpu.dma_semaphore, #tpu.memory_space<semaphore_mem>>)
      %dma_wait3A = arith.constant 0 : i32
      %dma_wait3A_16 = tpu.memref_slice %arg6[%dma_wait3A] : memref<25616xf32, #tpu.memory_space<vmem>> -> memref<25600xf32, #tpu.memory_space<vmem>>
      %dma_wait3A_17 = tpu.memref_slice %arg4[%mul3A_2] : memref<819200xf32, #tpu.memory_space<hbm>> -> memref<25600xf32, #tpu.memory_space<hbm>>
      %dma_wait3A_18 = tpu.memref_slice %arg4[%mul3A_2] : memref<819200xf32, #tpu.memory_space<hbm>> -> memref<25600xf32, #tpu.memory_space<hbm>>
      %dma_wait3A_19 = arith.constant 0 : i32
      %dma_wait3A_20 = tpu.memref_slice %arg6[%dma_wait3A_19] : memref<25616xf32, #tpu.memory_space<vmem>> -> memref<25600xf32, #tpu.memory_space<vmem>>
      tpu.wait_dma2 semaphore(%run_scoped3A : memref<!tpu.dma_semaphore, #tpu.memory_space<semaphore_mem>>) src(%dma_wait3A_20 : memref<25600xf32, #tpu.memory_space<vmem>>) dst(%dma_wait3A_18 : memref<25600xf32, #tpu.memory_space<hbm>>)
      tpu.yield
    }) : () -> ()
    return
  }
}

module attributes {stable_mosaic.version = 14 : i64} {
  func.func @_dense_body(%arg0: i32, %arg1: memref<512x1000xf32, #tpu.memory_space<vmem>>, %arg2: memref<512x1000xf32, #tpu.memory_space<vmem>>, %arg3: memref<512x50xi32, #tpu.memory_space<vmem>>, %arg4: memref<1x1x128xf32, #tpu.memory_space<vmem>>) attributes {dimension_semantics = [#tpu.dimension_semantics<arbitrary>], iteration_bounds = array<i64: 32>, scalar_prefetch = 0 : i64, scratch_operands = 0 : i64, tpu.core_type = #tpu.core_type<tc>, window_params = [{transform_indices = @transform_0, window_bounds = array<i64: 512, 1000>}, {transform_indices = @transform_1, window_bounds = array<i64: 512, 1000>}, {transform_indices = @transform_2, window_bounds = array<i64: 512, 50>}, {transform_indices = @transform_3, window_bounds = array<i64: 1, 1, 128>}]} {
    %get3A = arith.constant 0 : index
    %get3A_0 = arith.constant 0 : index
    %get3A_1 = vector.load %arg1[%get3A, %get3A_0] : memref<512x1000xf32, #tpu.memory_space<vmem>>, vector<512x1000xf32>
    %get3A_2 = arith.constant 0 : index
    %get3A_3 = arith.constant 0 : index
    %get3A_4 = vector.load %arg2[%get3A_2, %get3A_3] : memref<512x1000xf32, #tpu.memory_space<vmem>>, vector<512x1000xf32>
    %neg3A = arith.constant 0.000000e+00 : f32
    %neg3A_5 = vector.broadcast %neg3A : f32 to vector<512x1000xf32>
    %neg3A_6 = arith.subf %neg3A_5, %get3A_1 : vector<512x1000xf32>
    %log1p3A = math.log1p %neg3A_6 : vector<512x1000xf32>
    %max3A = arith.constant -1.000000e+02 : f32
    %max3A_7 = vector.broadcast %max3A : f32 to vector<512x1000xf32>
    %max3A_8 = arith.maximumf %log1p3A, %max3A_7 : vector<512x1000xf32>
    %mul3A = arith.constant 2.000000e+00 : f32
    %mul3A_9 = vector.broadcast %mul3A : f32 to vector<512x1000xf32>
    %mul3A_10 = arith.mulf %mul3A_9, %get3A_1 : vector<512x1000xf32>
    %exp3A = math.exp %mul3A_10 : vector<512x1000xf32>
    %reduce_max3A = arith.constant dense<0xFF800000> : vector<512xf32>
    %reduce_max3A_11 = vector.multi_reduction <maximumf>, %get3A_4, %reduce_max3A [1] : vector<512x1000xf32> to vector<512xf32>
    %broadcast_in_dim3A = vector.shape_cast %reduce_max3A_11 : vector<512xf32> to vector<512x1xf32>
    %sub3A = vector.broadcast %broadcast_in_dim3A : vector<512x1xf32> to vector<512x1000xf32>
    %sub3A_12 = arith.subf %get3A_4, %sub3A : vector<512x1000xf32>
    %exp3A_13 = math.exp %sub3A_12 : vector<512x1000xf32>
    %reduce_sum3A = arith.constant dense<0.000000e+00> : vector<512xf32>
    %reduce_sum3A_14 = vector.multi_reduction <add>, %exp3A_13, %reduce_sum3A [1] : vector<512x1000xf32> to vector<512xf32>
    %squeeze3A = vector.shape_cast %broadcast_in_dim3A : vector<512x1xf32> to vector<512xf32>
    %log3A = math.log %reduce_sum3A_14 : vector<512xf32>
    %add3A = arith.addf %squeeze3A, %log3A : vector<512xf32>
    %reduce_sum3A_15 = vector.shape_cast %add3A : vector<512xf32> to vector<1x512xf32>
    %reduce_sum3A_16 = arith.constant dense<0.000000e+00> : vector<1xf32>
    %reduce_sum3A_17 = vector.multi_reduction <add>, %reduce_sum3A_15, %reduce_sum3A_16 [1] : vector<1x512xf32> to vector<1xf32>
    %reduce_sum3A_18 = vector.shape_cast %reduce_sum3A_17 : vector<1xf32> to vector<1x1xf32>
    %reduce_sum3A_19 = vector.extract %reduce_sum3A_18[0, 0] : f32 from vector<1x1xf32>
    %get3A_20 = arith.constant 0 : index
    %get3A_21 = arith.constant 0 : index
    %get3A_22 = vector.load %arg3[%get3A_20, %get3A_21] : memref<512x50xi32, #tpu.memory_space<vmem>>, vector<512x50xi32>
    %iota3A = tpu.iota {dimensions = array<i32: 1>} : vector<512x50xi32>
    %gt3A = arith.constant 0 : i32
    %gt3A_23 = vector.broadcast %gt3A : i32 to vector<512x50xi32>
    %gt3A_24 = arith.cmpi sgt, %get3A_22, %gt3A_23 : vector<512x50xi32>
    %mul3A_25 = arith.constant 2048 : i32
    %mul3A_26 = vector.broadcast %mul3A_25 : i32 to vector<512x50xi32>
    %mul3A_27 = arith.muli %iota3A, %mul3A_26 : vector<512x50xi32>
    %add3A_28 = arith.addi %mul3A_27, %get3A_22 : vector<512x50xi32>
    %jit3A = arith.constant 1073741824 : i32
    %broadcast_in_dim3A_29 = vector.broadcast %jit3A : i32 to vector<512x50xi32>
    %select_n3A = arith.select %gt3A_24, %add3A_28, %broadcast_in_dim3A_29 : vector<512x50xi1>, vector<512x50xi32>
    %reduce_min3A = arith.constant dense<2147483647> : vector<512xi32>
    %reduce_min3A_30 = vector.multi_reduction <minsi>, %select_n3A, %reduce_min3A [1] : vector<512x50xi32> to vector<512xi32>
    %broadcast_in_dim3A_31 = vector.shape_cast %reduce_min3A_30 : vector<512xi32> to vector<512x1xi32>
    %eq3A = arith.constant 1073741824 : i32
    %eq3A_32 = vector.broadcast %eq3A : i32 to vector<512x1xi32>
    %eq3A_33 = arith.cmpi eq, %broadcast_in_dim3A_31, %eq3A_32 : vector<512x1xi32>
    %and3A = arith.constant 2047 : i32
    %and3A_34 = vector.broadcast %and3A : i32 to vector<512x1xi32>
    %and3A_35 = arith.andi %broadcast_in_dim3A_31, %and3A_34 : vector<512x1xi32>
    %sub3A_36 = arith.constant 1 : i32
    %sub3A_37 = vector.broadcast %sub3A_36 : i32 to vector<512x1xi32>
    %sub3A_38 = arith.subi %and3A_35, %sub3A_37 : vector<512x1xi32>
    %jit3A_39 = arith.constant 999 : i32
    %broadcast_in_dim3A_40 = vector.broadcast %jit3A_39 : i32 to vector<512x1xi32>
    %select_n3A_41 = arith.select %eq3A_33, %broadcast_in_dim3A_40, %sub3A_38 : vector<512x1xi1>, vector<512x1xi32>
    %iota3A_42 = tpu.iota {dimensions = array<i32: 1>} : vector<512x1000xi32>
    %eq3A_43 = vector.broadcast %select_n3A_41 : vector<512x1xi32> to vector<512x1000xi32>
    %eq3A_44 = arith.cmpi eq, %iota3A_42, %eq3A_43 : vector<512x1000xi32>
    %jit3A_45 = arith.constant 0.000000e+00 : f32
    %broadcast_in_dim3A_46 = vector.broadcast %jit3A_45 : f32 to vector<512x1000xf32>
    %select_n3A_47 = arith.select %eq3A_44, %get3A_4, %broadcast_in_dim3A_46 : vector<512x1000xi1>, vector<512x1000xf32>
    %reduce_sum3A_48 = vector.shape_cast %select_n3A_47 : vector<512x1000xf32> to vector<1x512x1000xf32>
    %reduce_sum3A_49 = arith.constant dense<0.000000e+00> : vector<1xf32>
    %reduce_sum3A_50 = vector.multi_reduction <add>, %reduce_sum3A_48, %reduce_sum3A_49 [1, 2] : vector<1x512x1000xf32> to vector<1xf32>
    %reduce_sum3A_51 = vector.shape_cast %reduce_sum3A_50 : vector<1xf32> to vector<1x1x1xf32>
    %reduce_sum3A_52 = vector.extract %reduce_sum3A_51[0, 0, 0] : f32 from vector<1x1x1xf32>
    %iota3A_53 = tpu.iota {dimensions = array<i32: 2>} : vector<1x1x128xi32>
    %eq3A_54 = arith.constant 0 : i32
    %eq3A_55 = vector.broadcast %eq3A_54 : i32 to vector<1x1x128xi32>
    %eq3A_56 = arith.cmpi eq, %iota3A_53, %eq3A_55 : vector<1x1x128xi32>
    %reduce_sum3A_57 = vector.shape_cast %max3A_8 : vector<512x1000xf32> to vector<1x512x1000xf32>
    %reduce_sum3A_58 = arith.constant dense<0.000000e+00> : vector<1xf32>
    %reduce_sum3A_59 = vector.multi_reduction <add>, %reduce_sum3A_57, %reduce_sum3A_58 [1, 2] : vector<1x512x1000xf32> to vector<1xf32>
    %reduce_sum3A_60 = vector.shape_cast %reduce_sum3A_59 : vector<1xf32> to vector<1x1x1xf32>
    %reduce_sum3A_61 = vector.extract %reduce_sum3A_60[0, 0, 0] : f32 from vector<1x1x1xf32>
    %eq3A_62 = arith.constant 1 : i32
    %eq3A_63 = vector.broadcast %eq3A_62 : i32 to vector<1x1x128xi32>
    %eq3A_64 = arith.cmpi eq, %iota3A_53, %eq3A_63 : vector<1x1x128xi32>
    %reduce_sum3A_65 = vector.shape_cast %exp3A : vector<512x1000xf32> to vector<1x512x1000xf32>
    %reduce_sum3A_66 = arith.constant dense<0.000000e+00> : vector<1xf32>
    %reduce_sum3A_67 = vector.multi_reduction <add>, %reduce_sum3A_65, %reduce_sum3A_66 [1, 2] : vector<1x512x1000xf32> to vector<1xf32>
    %reduce_sum3A_68 = vector.shape_cast %reduce_sum3A_67 : vector<1xf32> to vector<1x1x1xf32>
    %reduce_sum3A_69 = vector.extract %reduce_sum3A_68[0, 0, 0] : f32 from vector<1x1x1xf32>
    %eq3A_70 = arith.constant 2 : i32
    %eq3A_71 = vector.broadcast %eq3A_70 : i32 to vector<1x1x128xi32>
    %eq3A_72 = arith.cmpi eq, %iota3A_53, %eq3A_71 : vector<1x1x128xi32>
    %eq3A_73 = arith.constant 3 : i32
    %eq3A_74 = vector.broadcast %eq3A_73 : i32 to vector<1x1x128xi32>
    %eq3A_75 = arith.cmpi eq, %iota3A_53, %eq3A_74 : vector<1x1x128xi32>
    %jit3A_76 = arith.constant 0.000000e+00 : f32
    %broadcast_in_dim3A_77 = vector.broadcast %reduce_sum3A_52 : f32 to vector<1x1x128xf32>
    %broadcast_in_dim3A_78 = vector.broadcast %jit3A_76 : f32 to vector<1x1x128xf32>
    %select_n3A_79 = arith.select %eq3A_75, %broadcast_in_dim3A_77, %broadcast_in_dim3A_78 : vector<1x1x128xi1>, vector<1x1x128xf32>
    %broadcast_in_dim3A_80 = vector.broadcast %reduce_sum3A_19 : f32 to vector<1x1x128xf32>
    %select_n3A_81 = arith.select %eq3A_72, %broadcast_in_dim3A_80, %select_n3A_79 : vector<1x1x128xi1>, vector<1x1x128xf32>
    %broadcast_in_dim3A_82 = vector.broadcast %reduce_sum3A_69 : f32 to vector<1x1x128xf32>
    %select_n3A_83 = arith.select %eq3A_64, %broadcast_in_dim3A_82, %select_n3A_81 : vector<1x1x128xi1>, vector<1x1x128xf32>
    %broadcast_in_dim3A_84 = vector.broadcast %reduce_sum3A_61 : f32 to vector<1x1x128xf32>
    %select_n3A_85 = arith.select %eq3A_56, %broadcast_in_dim3A_84, %select_n3A_83 : vector<1x1x128xi1>, vector<1x1x128xf32>
    %swap3A = arith.constant 0 : index
    %swap3A_86 = arith.constant 0 : index
    %swap3A_87 = arith.constant 0 : index
    %swap3A_88 = vector.load %arg4[%swap3A, %swap3A_86, %swap3A_87] : memref<1x1x128xf32, #tpu.memory_space<vmem>>, vector<1x1x128xf32>
    tpu.vector_store %arg4[%swap3A, %swap3A_86, %swap3A_87], %select_n3A_85 {strides = array<i32>} : memref<1x1x128xf32, #tpu.memory_space<vmem>>, vector<1x1x128xf32>,
    return
  }
  func.func @transform_0(%arg0: i32) -> (i32, i32) {
    %c0_i32 = arith.constant 0 : i32
    %c0_i32_0 = arith.constant 0 : i32
    return %arg0, %c0_i32 : i32, i32
  }
  func.func @transform_1(%arg0: i32) -> (i32, i32) {
    %c0_i32 = arith.constant 0 : i32
    %c0_i32_0 = arith.constant 0 : i32
    return %arg0, %c0_i32 : i32, i32
  }
  func.func @transform_2(%arg0: i32) -> (i32, i32) {
    %c0_i32 = arith.constant 0 : i32
    %c0_i32_0 = arith.constant 0 : i32
    return %arg0, %c0_i32 : i32, i32
  }
  func.func @transform_3(%arg0: i32) -> (i32, i32, i32) {
    %c0_i32 = arith.constant 0 : i32
    %c0_i32_0 = arith.constant 0 : i32
    %c0_i32_1 = arith.constant 0 : i32
    return %arg0, %c0_i32, %c0_i32_0 : i32, i32, i32
  }
}

module attributes {stable_mosaic.version = 14 : i64} {
  func.func @_corr_body(%arg0: memref<819200xf32, #tpu.memory_space<vmem>>, %arg1: memref<32x1x128xf32, #tpu.memory_space<vmem>>, %arg2: memref<1xf32, #tpu.memory_space<smem>>, %arg3: memref<1xf32, #tpu.memory_space<smem>>, %arg4: memref<1xf32, #tpu.memory_space<smem>>) attributes {dimension_semantics = [], scalar_prefetch = 0 : i64, scratch_operands = 0 : i64, tpu.core_type = #tpu.core_type<tc>} {
    %get3A = arith.constant 0 : index
    %get3A_0 = vector.load %arg0[%get3A] : memref<819200xf32, #tpu.memory_space<vmem>>, vector<819200xf32>
    %neg3A = arith.constant 0.000000e+00 : f32
    %neg3A_1 = vector.broadcast %neg3A : f32 to vector<819200xf32>
    %neg3A_2 = arith.subf %neg3A_1, %get3A_0 : vector<819200xf32>
    %log1p3A = math.log1p %neg3A_2 : vector<819200xf32>
    %max3A = arith.constant -1.000000e+02 : f32
    %max3A_3 = vector.broadcast %max3A : f32 to vector<819200xf32>
    %max3A_4 = arith.maximumf %log1p3A, %max3A_3 : vector<819200xf32>
    %log3A = math.log %get3A_0 : vector<819200xf32>
    %max3A_5 = arith.constant -1.000000e+02 : f32
    %max3A_6 = vector.broadcast %max3A_5 : f32 to vector<819200xf32>
    %max3A_7 = arith.maximumf %log3A, %max3A_6 : vector<819200xf32>
    %sub3A = arith.subf %max3A_4, %max3A_7 : vector<819200xf32>
    %reduce_sum3A = vector.shape_cast %sub3A : vector<819200xf32> to vector<1x819200xf32>
    %reduce_sum3A_8 = arith.constant dense<0.000000e+00> : vector<1xf32>
    %reduce_sum3A_9 = vector.multi_reduction <add>, %reduce_sum3A, %reduce_sum3A_8 [1] : vector<1x819200xf32> to vector<1xf32>
    %reduce_sum3A_10 = vector.shape_cast %reduce_sum3A_9 : vector<1xf32> to vector<1x1xf32>
    %reduce_sum3A_11 = vector.extract %reduce_sum3A_10[0, 0] : f32 from vector<1x1xf32>
    %get3A_12 = arith.constant 0 : index
    %get3A_13 = arith.constant 0 : index
    %get3A_14 = arith.constant 0 : index
    %get3A_15 = vector.load %arg1[%get3A_12, %get3A_13, %get3A_14] : memref<32x1x128xf32, #tpu.memory_space<vmem>>, vector<32x1x128xf32>
    %slice3A = vector.extract_strided_slice %get3A_15 {offsets = [0, 0, 0], sizes = [32, 1, 1], strides = [1, 1, 1]} : vector<32x1x128xf32> to vector<32x1x1xf32>
    %squeeze3A = vector.shape_cast %slice3A : vector<32x1x1xf32> to vector<32xf32>
    %reduce_sum3A_16 = vector.shape_cast %squeeze3A : vector<32xf32> to vector<1x32xf32>
    %reduce_sum3A_17 = arith.constant dense<0.000000e+00> : vector<1xf32>
    %reduce_sum3A_18 = vector.multi_reduction <add>, %reduce_sum3A_16, %reduce_sum3A_17 [1] : vector<1x32xf32> to vector<1xf32>
    %reduce_sum3A_19 = vector.shape_cast %reduce_sum3A_18 : vector<1xf32> to vector<1x1xf32>
    %reduce_sum3A_20 = vector.extract %reduce_sum3A_19[0, 0] : f32 from vector<1x1xf32>
    %slice3A_21 = vector.extract_strided_slice %get3A_15 {offsets = [0, 0, 1], sizes = [32, 1, 1], strides = [1, 1, 1]} : vector<32x1x128xf32> to vector<32x1x1xf32>
    %squeeze3A_22 = vector.shape_cast %slice3A_21 : vector<32x1x1xf32> to vector<32xf32>
    %reduce_sum3A_23 = vector.shape_cast %squeeze3A_22 : vector<32xf32> to vector<1x32xf32>
    %reduce_sum3A_24 = arith.constant dense<0.000000e+00> : vector<1xf32>
    %reduce_sum3A_25 = vector.multi_reduction <add>, %reduce_sum3A_23, %reduce_sum3A_24 [1] : vector<1x32xf32> to vector<1xf32>
    %reduce_sum3A_26 = vector.shape_cast %reduce_sum3A_25 : vector<1xf32> to vector<1x1xf32>
    %reduce_sum3A_27 = vector.extract %reduce_sum3A_26[0, 0] : f32 from vector<1x1xf32>
    %slice3A_28 = vector.extract_strided_slice %get3A_15 {offsets = [0, 0, 2], sizes = [32, 1, 1], strides = [1, 1, 1]} : vector<32x1x128xf32> to vector<32x1x1xf32>
    %squeeze3A_29 = vector.shape_cast %slice3A_28 : vector<32x1x1xf32> to vector<32xf32>
    %reduce_sum3A_30 = vector.shape_cast %squeeze3A_29 : vector<32xf32> to vector<1x32xf32>
    %reduce_sum3A_31 = arith.constant dense<0.000000e+00> : vector<1xf32>
    %reduce_sum3A_32 = vector.multi_reduction <add>, %reduce_sum3A_30, %reduce_sum3A_31 [1] : vector<1x32xf32> to vector<1xf32>
    %reduce_sum3A_33 = vector.shape_cast %reduce_sum3A_32 : vector<1xf32> to vector<1x1xf32>
    %reduce_sum3A_34 = vector.extract %reduce_sum3A_33[0, 0] : f32 from vector<1x1xf32>
    %slice3A_35 = vector.extract_strided_slice %get3A_15 {offsets = [0, 0, 3], sizes = [32, 1, 1], strides = [1, 1, 1]} : vector<32x1x128xf32> to vector<32x1x1xf32>
    %squeeze3A_36 = vector.shape_cast %slice3A_35 : vector<32x1x1xf32> to vector<32xf32>
    %reduce_sum3A_37 = vector.shape_cast %squeeze3A_36 : vector<32xf32> to vector<1x32xf32>
    %reduce_sum3A_38 = arith.constant dense<0.000000e+00> : vector<1xf32>
    %reduce_sum3A_39 = vector.multi_reduction <add>, %reduce_sum3A_37, %reduce_sum3A_38 [1] : vector<1x32xf32> to vector<1xf32>
    %reduce_sum3A_40 = vector.shape_cast %reduce_sum3A_39 : vector<1xf32> to vector<1x1xf32>
    %reduce_sum3A_41 = vector.extract %reduce_sum3A_40[0, 0] : f32 from vector<1x1xf32>
    %sub3A_42 = arith.subf %reduce_sum3A_11, %reduce_sum3A_20 : f32
    %div3A = arith.constant 1.638400e+07 : f32
    %div3A_43 = arith.divf %sub3A_42, %div3A : f32
    %div3A_44 = arith.constant 1.638400e+07 : f32
    %div3A_45 = arith.divf %reduce_sum3A_27, %div3A_44 : f32
    %mul3A = arith.mulf %div3A_43, %div3A_45 : f32
    %mul3A_46 = arith.constant 1.000000e-01 : f32
    %mul3A_47 = arith.mulf %mul3A_46, %mul3A : f32
    %sub3A_48 = arith.subf %reduce_sum3A_34, %reduce_sum3A_41 : f32
    %div3A_49 = arith.constant 1.638400e+04 : f32
    %div3A_50 = arith.divf %sub3A_48, %div3A_49 : f32
    %swap3A = arith.constant 0 : index
    %swap3A_51 = memref.load %arg2[%swap3A] : memref<1xf32, #tpu.memory_space<smem>>
    memref.store %mul3A_47, %arg2[%swap3A] : memref<1xf32, #tpu.memory_space<smem>>
    %swap3A_52 = arith.constant 0 : index
    %swap3A_53 = memref.load %arg3[%swap3A_52] : memref<1xf32, #tpu.memory_space<smem>>
    memref.store %div3A_50, %arg3[%swap3A_52] : memref<1xf32, #tpu.memory_space<smem>>
    %add3A = arith.addf %mul3A_47, %div3A_50 : f32
    %swap3A_54 = arith.constant 0 : index
    %swap3A_55 = memref.load %arg4[%swap3A_54] : memref<1xf32, #tpu.memory_space<smem>>
    memref.store %add3A, %arg4[%swap3A_54] : memref<1xf32, #tpu.memory_space<smem>>
    return
  }
}

</mosaic_0001>

<sc_bundles>
// kernel: kernel.5.cloned.1.call-start
scs
__scs_entry_jumppad:
0x0: {  	(pc) =	sbr.rel $0x88, $3  }
0x1: {  	(tag) =	ssettag $0x0;
	lr =	simm.s32 $0x1  }
0x2: {  	[smem:$0x3F9E] =	sst lr;
	_ =	strace $0xD0000000  }
0x3: {  	_ = 	snop  }
0x4: {  	_ = 	snop  }
0x5: {  	_ = 	snop  }
0x6: {  	_ = 	snop  }
0x7: {  	_ = 	snop  }
__scs_overlays_trampoline_lowered:
0x8: {  	[smem:$0x3FAD] =	sst s0  }
0x9: {  	[smem:$0x3FAE] =	sst s1  }
0xa: {  	[smem:$0x3FAF] =	sst s2  }
0xb: {  	[smem:$0x3FB0] =	sst s3  }
0xc: {  	[smem:$0x3FB1] =	sst s4  }
0xd: {  	[smem:$0x3FB2] =	sst s5  }
0xe: {  	[smem:$0x3FB3] =	sst s6  }
0xf: {  	[smem:$0x3FB4] =	sst s7  }
0x10: {  	[smem:$0x3FB5] =	sst s8  }
0x11: {  	[smem:$0x3FB6] =	sst s9;
	s0 =	simm.s32 @!p0 $0x0  }
0x12: {  	s1 =	sld [smem:$0x3F9C];
	s0 =	simm.s32 @p0 $0x1  }
0x13: {  	[smem:$0x3FB7] =	sst s0;
	s0 =	simm.s32 @!p1 $0x0  }
0x14: {  	s2 =	sld [smem:$0x3F9B];
	s0 =	simm.s32 @p1 $0x1  }
0x15: {  	[smem:$0x3FB8] =	sst s0;
	s0 =	simm.s32 @!p2 $0x0  }
0x16: {  	s3 =	sld [smem:$0x3FDB];
	s0 =	simm.s32 @p2 $0x1  }
0x17: {  	s4 =	simm.s32 $0x1BF5;
	[smem:$0x3FBA] =	sst s0  }
0x18: {  	s0 =	sld [smem:$0x3F9D];
	_ =	swait.ge [sflag:s4], $0x0  }
0x19: {  	s7 =	sld [smem:$0x3F9E]  }
0x1a: {  	s8 =	sadd.s32 $0xFFFFE003, lr  }
0x1b: {  	s9 =	sadd.s32 $0xFFFFFEF7, lr;
	s5 =	simm.s32 $0xFFFFFFFF;
	p2 =	slt.u32 s8, $0xFFFFF086  }
0x1c: {  	p1 =	slt.u32 s9, $0xF7A;
	s5 =	simm.s32 @!p2 $0x0  }
0x1d: {  	s5 =	simm.s32 @p1 $0x1;
	p0 =	seq.s32 s7, s2  }
0x1e: {  	s7 =	smul.u32 @!p0 $0xF7A, s2;
	p2 =	seq.s32 @!p0 s5, $0x0  }
0x1f: {  	s9 =	smul.u32 $0xF7A, s1;
	s8 =	simm.s32 @!p0 $0x1BF5;
	p2 =	por !p2, p0  }
0x20: {  	[sflag:s8] =	ssyncset.s32 @!p0 $0xFFFFF086;
	s6 =	sadd.s32 @!p0 s3, s7;
	s7 =	simm.s32 @!p0 $0x108  }
0x21: {  	s3 =	sadd.s32 s3, s9;
	s6 =	sadd.s32 @!p0 $0x88, s6;
	s7 =	simm.s32 @p2 $0x1082  }
0x22: {  	[simem:s7], [sflag:s8] =	dma.local @!p0 [hbm:s6], $0xF7A  }
0x23: {  	s9 =	sor.u32 $0xD0000000, s2;
	s6 =	simm.s32 $0x108;
	_ =	swait.ge @!p0 [sflag:s8], $0x0  }
0x24: {  	s3 =	sadd.s32 $0x88, s3;
	s6 =	simm.s32 @!p1 $0x1082;
	[sflag:s4] =	ssyncset.s32 $0xFFFFF086  }
0x25: {  	[simem:s6], [sflag:s4] =	dma.local [hbm:s3], $0xF7A  }
0x26: {  	[smem:$0x3F9E] =	sst s1;
	(tag) =	ssettag s2;
	_ =	strace s9  }
0x27: {  	s1 =	sld [smem:$0x3FAE]  }
0x28: {  	s2 =	sld [smem:$0x3FAF]  }
0x29: {  	s4 =	sld [smem:$0x3FB1]  }
0x2a: {  	p0 =	seq.s32 s5, $0x0;
	s5 =	sld [smem:$0x3FB2]  }
0x2b: {  	s6 =	sld [smem:$0x3FB3]  }
0x2c: {  	s7 =	sld [smem:$0x3FB4]  }
0x2d: {  	s3 =	simm.s32 $0x108;
	s8 =	sld [smem:$0x3FB5]  }
0x2e: {  	s3 =	simm.s32 @!p0 $0x1082;
	s9 =	sld [smem:$0x3FB6]  }
0x2f: {  	lr =	sadd.s32 s0, s3;
	s0 =	sld [smem:$0x3FAD]  }
0x30: {  	s3 =	sld [smem:$0x3FB0]  }
0x31: {  	[smem:$0x3FB9] =	sst s10  }
0x32: {  	s10 =	sld [smem:$0x3FB7];
	_ =	sdelay $0x3  }
0x33: {  	p0 =	seq.s32 s10, $0x1;
	s10 =	sld [smem:$0x3FB9];
	_ =	sdelay $0x3  }
0x34: {  	[smem:$0x3FB9] =	sst s10  }
0x35: {  	s10 =	sld [smem:$0x3FB8];
	_ =	sdelay $0x3  }
0x36: {  	p1 =	seq.s32 s10, $0x1;
	s10 =	sld [smem:$0x3FB9];
	_ =	sdelay $0x3  }
0x37: {  	[smem:$0x3FB9] =	sst s10  }
0x38: {  	s10 =	sld [smem:$0x3FBA]  }
0x39: {  	_ = 	snop;
	(pc) =	sbr.ind lr, $3  }
0x3a: {  	_ = 	snop  }
0x3b: {  	_ = 	snop  }
0x3c: {  	p2 =	seq.s32 s10, $0x1;
	s10 =	sld [smem:$0x3FB9]  }
0x3d: {  	_ =	shalt  }
0x3e: {  	_ =	shalt  }
0x3f: {  	_ =	shalt  }
0x40: {  	_ =	shalt  }
0x41: {  	_ =	shalt  }
0x42: {  	_ =	shalt  }
0x43: {  	_ =	shalt  }
0x44: {  	_ =	shalt  }
0x45: {  	_ =	shalt  }
0x46: {  	_ =	shalt  }
0x47: {  	_ =	shalt  }
0x48: {  	_ =	shalt  }
0x49: {  	_ =	shalt  }
0x4a: {  	_ =	shalt  }
0x4b: {  	_ =	shalt  }
0x4c: {  	_ =	shalt  }
0x4d: {  	_ =	shalt  }
0x4e: {  	_ =	shalt  }
0x4f: {  	_ =	shalt  }
0x50: {  	_ =	shalt  }
0x51: {  	_ =	shalt  }
0x52: {  	_ =	shalt  }
0x53: {  	_ =	shalt  }
0x54: {  	_ =	shalt  }
0x55: {  	_ =	shalt  }
0x56: {  	_ =	shalt  }
0x57: {  	_ =	shalt  }
0x58: {  	_ =	shalt  }
0x59: {  	_ =	shalt  }
0x5a: {  	_ =	shalt  }
0x5b: {  	_ =	shalt  }
0x5c: {  	_ =	shalt  }
0x5d: {  	_ =	shalt  }
0x5e: {  	_ =	shalt  }
0x5f: {  	_ =	shalt  }
0x60: {  	_ =	shalt  }
0x61: {  	_ =	shalt  }
0x62: {  	_ =	shalt  }
0x63: {  	_ =	shalt  }
0x64: {  	_ =	shalt  }
0x65: {  	_ =	shalt  }
0x66: {  	_ =	shalt  }
0x67: {  	_ =	shalt  }
0x68: {  	_ =	shalt  }
0x69: {  	_ =	shalt  }
0x6a: {  	_ =	shalt  }
0x6b: {  	_ =	shalt  }
0x6c: {  	_ =	shalt  }
0x6d: {  	_ =	shalt  }
0x6e: {  	_ =	shalt  }
0x6f: {  	_ =	shalt  }
0x70: {  	_ =	shalt  }
0x71: {  	_ =	shalt  }
0x72: {  	_ =	shalt  }
0x73: {  	_ =	shalt  }
0x74: {  	_ =	shalt  }
0x75: {  	_ =	shalt  }
0x76: {  	_ =	shalt  }
0x77: {  	_ =	shalt  }
0x78: {  	_ =	shalt  }
0x79: {  	_ =	shalt  }
0x7a: {  	_ =	shalt  }
0x7b: {  	_ =	shalt  }
0x7c: {  	_ =	shalt  }
0x7d: {  	_ =	shalt  }
0x7e: {  	_ =	shalt  }
0x7f: {  	_ =	shalt  }
0x80: {  	_ =	shalt  }
0x81: {  	_ =	shalt  }
0x82: {  	_ =	shalt  }
0x83: {  	_ =	shalt  }
0x84: {  	_ =	shalt  }
0x85: {  	_ =	shalt  }
0x86: {  	_ =	shalt  }
0x87: {  	_ =	shalt  }
.Lfunc_end0:
.L_simem_size_0:
called_computation_lowered:
.L_overlay_start_0:
0x88: {  	s2 =	sld [smem:$0x3FD9]  }
0x89: {  	s3 =	sld [smem:$0x3FFE];
	_ =	sdelay $0x1  }
0x8a: {  	s1 =	srdreg.scid  }
0x8b: {  	s0 =	sand.u32 $0x1, s1  }
0x8c: {  	s16 =	sshll.u32 s0, $0xA;
	s2 =	sadd.s32 s3, s2  }
0x8d: {  	s2 =	sadd.s32 s2, s16  }
0x8e: {  	[smem:$0x3FC5] =	sst s2  }
0x8f: {  	_ = 	snop  }
0x90: {  	(tm) =	ssettm $0x1  }
0x91: {  	s17 =	sld [smem:$0x3FFB];
	_ =	sdelay $0x3  }
0x92: {  	_ =	strace s17  }
0x93: {  	s2 =	sld [smem:$0x3FFC];
	_ =	sdelay $0x3  }
0x94: {  	_ =	strace s2  }
0x95: {  	s2 =	sld [smem:$0x3FFD];
	_ =	sdelay $0x3  }
0x96: {  	_ =	strace s2  }
0x97: {  	_ =	strace $0x8FFFFFFF  }
0x98: {  	s18 =	sld [smem:$0x3FDB];
	_ =	sdelay $0x1  }
0x99: {  	s19 =	simm.s32 $_scs_section_size  }
0x9a: {  	s4 =	simm.s32 $_size__tile_overlayer_lowered;
	s5 =	simm.s32 $_tile_overlayer_lowered  }
0x9b: {  	s22 =	simm.s32 $0x1BFF;
	s21 =	sshll.u32 s5, $0x1;
	s2 =	sadd.s32 s19, s18  }
0x9c: {  	s6 =	simm.s32 $0x0;
	s20 =	sshll.u32 s4, $0x1;
	s4 =	sadd.s32 s21, s2  }
0x9d: {  	[timem:s6], [sflag:s22] =	dma.local [hbm:s4], s20  }
0x9e: {  	_ =	swait.ge [sflag:s22], s20  }
0x9f: {  	s3 =	ssub.s32 $0x0, s20;
	[sflag:s22] =	ssyncset.done $0x0  }
0xa0: {  	[sflag:s22] =	ssyncadd.s32 s3;
	_ =	sdelay $0x1  }
0xa1: {  	s23 =	simm.s32 $0x1B8B  }
0xa2: {  	_ =	swait.ge [sflag:s23], $0x1  }
0xa3: {  	[sflag:s23] =	ssyncset.done $0x0  }
0xa4: {  	s25 =	simm.s32 $0x1B8E;
	s24 =	sld [smem:$0x3FFE];
	[sflag:s23] =	ssyncadd.s32 $0xFFFFFFFF  }
0xa5: {  	s26 =	simm.s32 $execute0_lowered;
	[smem:$0x3FD2] =	sst s25  }
0xa6: {  	s4 =	sshll.u32 s26, $0x1;
	_ =	strace $0x80000046;
	[dreg:$0x1] =	wrdreg $0xFFFFFFFF  }
0xa7: {  	s28 =	simm.s32 $_size_execute0_lowered;
	s2 =	sadd.s32 s2, s4;
	[dreg:$0x0] =	wrdreg $0x0  }
0xa8: {  	s4 =	sshll.u32 s28, $0x1;
	[dreg:$0x2] =	wrdreg s2  }
0xa9: {  	[dreg:$0x3] =	wrdreg s4  }
0xaa: {  	[dreg:$0x4] =	wrdreg $0xC0  }
0xab: {  	_ =	task [dreg:s6], $0x5FFFF  }
0xac: {  	[dreg:$0x1] =	wrdreg $0xFFFFFFFF  }
0xad: {  	[dreg:$0x0] =	wrdreg $0x60  }
0xae: {  	[dreg:$0x2] =	wrdreg s24  }
0xaf: {  	[dreg:$0x3] =	wrdreg $0x9  }
0xb0: {  	_ =	task.clear_ibuf [dreg:s6], $0x4FFFF;
	_ =	strace $0x90000046  }
0xb1: {  	s29 =	simm.s32 $0x9;
	_ =	strace $0x80000048  }
0xb2: {  	_ =	swait.ge [sflag:s29], $0x1  }
0xb3: {  	[sflag:s29] =	ssyncadd.s32 $0xFFFFFFFF  }
0xb4: {  	_ =	strace $0x90000048  }
0xb5: {  	_ =	sfence  }
0xb6: {  	s30 =	sld [smem:$0x0];
	_ =	sdelay $0x2  }
0xb7: {  	s31 =	sshll.u32 s1, $0xD;
	s1 =	sshrl.u32 s1, $0x2  }
0xb8: {  	s3 =	sand.u32 $0x4000, s31;
	s1 =	sadd.s32 s1, s30  }
0xb9: {  	s0 =	sor.u32 s3, s0;
	s1 =	sshll.u32 s1, $0x11  }
0xba: {  	s0 =	sor.u32 s1, s0  }
0xbb: {  	s0 =	sadd.s32 $0x8F2B, s0  }
0xbc: {  	[sflag:s0] =	ssyncadd.remote.s32 $0x1  }
0xbd: {  	_ =	sfence.sel $0xFFFF  }
0xbe: {  	[dreg:$0x0] =	wrdreg $0xFFFFFFFF;
	(pc) =	sbr.abs _section_cstart, $3  }
0xbf: {  	[dreg:$0x1] =	wrdreg $0xFFFFFFFF  }
0xc0: {  	_ =	task.clear_ibuf [dreg:s6], $0x2FFFF;
	_ =	strace $0x9FFFFFFF  }
0xc1: {  	(tm) =	ssettm $0x7FFFFFFF  }
tec
execute0_lowered:
.L_overlay_start_1:
0x0: {  	(tag) =	ssettag $0x1  }
0x1: {  	s1 =	srdreg.scid  }
0x2: {  	s0 =	stileid.u32;
	s3 =	rddreg [dreg:$0x0]  }
0x3: {  	s2 =	simm.s32 $0x0;
	s8 =	simm.s32 $0xC900;
	s9 =	simm.s32 $0x1  }
0x4: {  	s10 =	simm.s32 $0x10900;
	s4 =	sand.u32 $0x1, s1;
	s5 =	sshll.u32 s0, $0x1  }
0x5: {  	s11 =	simm.s32 $0x6480;
	s1 =	rddreg [dreg:$0x1];
	s5 =	sor.u32 s4, s5  }
0x6: {  	s12 =	simm.s32 $0x0;
	[smem:$0x7FF] =	sst s2;
	s6 =	smul.u32 $0xC80, s5  }
0x7: {  	_ =	strace $0x80000047;
	s4 =	ssub.s32 $0x2, s4;
	s5 =	sshll.u32 s5, $0x10  }
0x8: {  	s7 =	sshrl.u32 s4, $0x1;
	s5 =	sadd.s32 s5, s3;
	s6 =	sadd.s32 s6, s3  }
0x9: {  	v0 =	vlaneseq.u32;
	vm0 =	vmmov $0x3;
	s7 =	ssub.s32 s4, s7;
	s4 =	sadd.s32 $0xA00, s5;
	s3 =	sadd.s32 $0x200A00, s6  }
0xa: {  	v1 =	vor.u32 $0x10, v0;
	v2 =	vor.u32 $0x20, v0;
	v3 =	vor.u32 $0x30, v0;
	s5 =	sadd.s32 $0x219A00, s6;
	s6 =	smax.u32 s7, $0x1;
	s7 =	simm.s32 $0x2  }
.LBB2_1:
0xb: {  	[tilespmem:s2], [sflag:$0x2] =	stream.linear.gather [hbm4b:s3+s2], $0x6400, $0x38;
	[tilespmem:$0x10D00] =	vst v63  }
0xc: {  	_ =	swait.ge [sflag:s7], $0x6400  }
0xd: {  	s13 =	simm.s32 $0x20;
	[sflag:s7] =	ssyncset.done $0x0  }
0xe: {  	s14 =	simm.s32 $0x64A0;
	s15 =	simm.s32 $0x0;
	[sflag:s7] =	ssyncadd.s32 $0xFFFF9C00  }
.LBB2_2:
0xf: {  	s16 =	sshll.u32 s15, $0xB  }
0x10: {  	s17 =	sadd.s32 s16, s4;
	s16 =	simm.s32 $0x0  }
0x11: {  	[tilespmem:s8], [sflag:$0x1] =	stream.linear.gather [hbm4b:s17+s16], $0x4000, $0x38;
	[tilespmem:$0x10D00] =	vst v63  }
0x12: {  	_ =	swait.ge [sflag:s9], $0x4000  }
0x13: {  	[sflag:s9] =	ssyncset.done $0x0  }
0x14: {  	s18 =	smov.u32 s13;
	s17 =	smov.u32 s14;
	[sflag:s9] =	ssyncadd.s32 $0xFFFFC000  }
.LBB2_3:
0x15: {  	v4 =	vld [tilespmem:s18+$0xFFFFFFE0];
	_ =	sdelay $0x4  }
0x16: {  	v5 =	vadd.s32 $0xFFFFFFFF, v4  }
0x17: {  	vm1 =	vgt.s32 v5, $0x0  }
0x18: {  	v5 =	vnsel vm1, $0x0, v5  }
0x19: {  	vm1 =	vgt.s32 v4, $0x0;
	v4 =	vmin.u32 v5, $0x3E7  }
0x1a: {  	v4 =	vnsel vm1, $0x3E7, v4;
	_ =	sdelay $0x4  }
0x1b: {  	[tilespmem:v4+s10+$0x0] =	vst.idx.msk $0xffff, v0  }
0x1c: {  	v4 =	vld [tilespmem:s18+$0xFFFFFFF0];
	_ =	sdelay $0x4  }
0x1d: {  	v5 =	vadd.s32 $0xFFFFFFFF, v4  }
0x1e: {  	vm1 =	vgt.s32 v5, $0x0  }
0x1f: {  	v5 =	vnsel vm1, $0x0, v5  }
0x20: {  	vm1 =	vgt.s32 v4, $0x0;
	v4 =	vmin.u32 v5, $0x3E7  }
0x21: {  	v4 =	vnsel vm1, $0x3E7, v4;
	_ =	sdelay $0x4  }
0x22: {  	[tilespmem:v4+s10+$0x0] =	vst.idx.msk $0xffff, v1  }
0x23: {  	v4 =	vld [tilespmem:s18+$0x0];
	_ =	sdelay $0x4  }
0x24: {  	v5 =	vadd.s32 $0xFFFFFFFF, v4  }
0x25: {  	vm1 =	vgt.s32 v5, $0x0  }
0x26: {  	v5 =	vnsel vm1, $0x0, v5  }
0x27: {  	vm1 =	vgt.s32 v4, $0x0;
	v4 =	vmin.u32 v5, $0x3E7  }
0x28: {  	v4 =	vnsel vm1, $0x3E7, v4;
	_ =	sdelay $0x4  }
0x29: {  	[tilespmem:v4+s10+$0x0] =	vst.idx.msk $0xffff, v2  }
0x2a: {  	v4 =	vld [tilespmem:s18+$0x10];
	_ =	sdelay $0x4  }
0x2b: {  	v5 =	vadd.s32 $0xFFFFFFFF, v4  }
0x2c: {  	vm1 =	vgt.s32 v5, $0x0  }
0x2d: {  	v5 =	vnsel vm1, $0x0, v5  }
0x2e: {  	vm1 =	vgt.s32 v4, $0x0;
	v4 =	vmin.u32 v5, $0x3E7  }
0x2f: {  	v4 =	vnsel vm1, $0x3E7, v4;
	_ =	sdelay $0x4  }
0x30: {  	[tilespmem:v4+s10+$0x0] =	vst.idx.msk $0x3, v3  }
0x31: {  	v4 =	vld [tilespmem:s18+$0xFFFFFFE0];
	_ =	sdelay $0x4  }
0x32: {  	v5 =	vadd.s32 $0xFFFFFFFF, v4  }
0x33: {  	vm1 =	vgt.s32 v5, $0x0  }
0x34: {  	v5 =	vnsel vm1, $0x0, v5  }
0x35: {  	vm1 =	vgt.s32 v4, $0x0;
	v4 =	vmin.u32 v5, $0x3E7  }
0x36: {  	v4 =	vnsel vm1, $0x3E7, v4  }
0x37: {  	v5 =	vmov s16;
	v6 =	vshll.u32 v4, $0x3  }
0x38: {  	v8 =	vshll.u32 v5, $0xA;
	v7 =	vand.u32 $0x7F, v4;
	v6 =	vand.u32 $0x1C00, v6  }
0x39: {  	v5 =	vshll.u32 v5, $0x7;
	v8 =	vand.u32 $0x2000, v8;
	v6 =	vor.u32 v6, v7  }
0x3a: {  	v5 =	vand.u32 $0x380, v5;
	v6 =	vor.u32 v8, v6  }
0x3b: {  	v6 =	vor.u32 v5, v6;
	_ =	sdelay $0x2  }
0x3c: {  	v4 =	vld.idx.msk [tilespmem:v4+s10+$0x0], $0xffff;
	_ =	sdelay $0x1  }
0x3d: {  	v6 =	vld.idx.msk [tilespmem:v6+s8+$0x0], $0xffff;
	_ =	sdelay $0x2  }
0x3e: {  	vm2 =	veq.s32 v4, v0  }
0x3f: {  	vm1 =	vmand vm1, vm2  }
0x40: {  	v4 =	vnsel vm1, $0x3F000000, v6  }
0x41: {  	[tilespmem:s17+$0xFFFFFFE0] =	vst v4  }
0x42: {  	v4 =	vld [tilespmem:s18+$0xFFFFFFF0];
	_ =	sdelay $0x4  }
0x43: {  	v55 =	vadd.s32 $0xFFFFFFFF, v4  }
0x44: {  	vm1 =	vgt.s32 v55, $0x0  }
0x45: {  	v6 =	vnsel vm1, $0x0, v55  }
0x46: {  	vm1 =	vgt.s32 v4, $0x0;
	v4 =	vmin.u32 v6, $0x3E7  }
0x47: {  	v4 =	vnsel vm1, $0x3E7, v4  }
0x48: {  	v56 =	vshll.u32 v4, $0x3  }
0x49: {  	v57 =	vand.u32 $0x7F, v4;
	v6 =	vand.u32 $0x1C00, v56  }
0x4a: {  	v6 =	vor.u32 v6, v57  }
0x4b: {  	v6 =	vor.u32 v8, v6  }
0x4c: {  	v6 =	vor.u32 v5, v6;
	_ =	sdelay $0x2  }
0x4d: {  	v4 =	vld.idx.msk [tilespmem:v4+s10+$0x0], $0xffff;
	_ =	sdelay $0x1  }
0x4e: {  	v6 =	vld.idx.msk [tilespmem:v6+s8+$0x0], $0xffff;
	_ =	sdelay $0x2  }
0x4f: {  	vm2 =	veq.s32 v4, v1  }
0x50: {  	vm1 =	vmand vm1, vm2  }
0x51: {  	v4 =	vnsel vm1, $0x3F000000, v6  }
0x52: {  	[tilespmem:s17+$0xFFFFFFF0] =	vst v4  }
0x53: {  	v4 =	vld [tilespmem:s18+$0x0];
	_ =	sdelay $0x4  }
0x54: {  	v58 =	vadd.s32 $0xFFFFFFFF, v4  }
0x55: {  	vm1 =	vgt.s32 v58, $0x0  }
0x56: {  	v6 =	vnsel vm1, $0x0, v58  }
0x57: {  	vm1 =	vgt.s32 v4, $0x0;
	v4 =	vmin.u32 v6, $0x3E7  }
0x58: {  	v4 =	vnsel vm1, $0x3E7, v4  }
0x59: {  	v59 =	vshll.u32 v4, $0x3  }
0x5a: {  	v60 =	vand.u32 $0x7F, v4;
	v6 =	vand.u32 $0x1C00, v59  }
0x5b: {  	v6 =	vor.u32 v6, v60  }
0x5c: {  	v6 =	vor.u32 v8, v6  }
0x5d: {  	v6 =	vor.u32 v5, v6;
	_ =	sdelay $0x2  }
0x5e: {  	v4 =	vld.idx.msk [tilespmem:v4+s10+$0x0], $0xffff;
	_ =	sdelay $0x1  }
0x5f: {  	v6 =	vld.idx.msk [tilespmem:v6+s8+$0x0], $0xffff;
	_ =	sdelay $0x2  }
0x60: {  	vm2 =	veq.s32 v4, v2  }
0x61: {  	vm1 =	vmand vm1, vm2  }
0x62: {  	v4 =	vnsel vm1, $0x3F000000, v6  }
0x63: {  	[tilespmem:s17+$0x0] =	vst v4  }
0x64: {  	v4 =	vld [tilespmem:s18+$0x10];
	_ =	sdelay $0x4  }
0x65: {  	v61 =	vadd.s32 $0xFFFFFFFF, v4  }
0x66: {  	vm1 =	vgt.s32 v61, $0x0  }
0x67: {  	v6 =	vnsel vm1, $0x0, v61  }
0x68: {  	vm1 =	vgt.s32 v4, $0x0;
	v4 =	vmin.u32 v6, $0x3E7  }
0x69: {  	v4 =	vnsel vm1, $0x3E7, v4  }
0x6a: {  	v62 =	vshll.u32 v4, $0x3  }
0x6b: {  	v63 =	vand.u32 $0x7F, v4;
	v6 =	vand.u32 $0x1C00, v62  }
0x6c: {  	v6 =	vor.u32 v6, v63  }
0x6d: {  	v6 =	vor.u32 v8, v6  }
0x6e: {  	v5 =	vor.u32 v5, v6;
	_ =	sdelay $0x1  }
0x6f: {  	v4 =	vld.idx.msk [tilespmem:v4+s10+$0x0], $0x3;
	_ =	sdelay $0x2  }
0x70: {  	v5 =	vld.idx.msk [tilespmem:v5+s8+$0x0], $0x3  }
0x71: {  	p0 =	sne.s32 s16, $0xF  }
.Ltmp0:
0x72: {  	vm2 =	veq.s32 v4, v3;
	(pc) =	sbr.rel @p0 .LBB2_3-.Ltmp0, $4  }
0x73: {  	vm1 =	vmand vm1, vm2  }
0x74: {  	vm1 =	vmand vm1, vm0  }
0x75: {  	v4 =	vnsel vm1, $0x3F000000, v5  }
0x76: {  	s16 =	sadd.s32 $0x1, s16;
	s18 =	sadd.s32 $0x32, s18;
	[tilespmem:s17+$0x10] =	vst v4;
	s17 =	sadd.s32 $0x32, s17  }
0x77: {  	s15 =	sadd.s32 $0x1, s15  }
0x78: {  	p0 =	sne.s32 s15, $0x20  }
.Ltmp1:
0x79: {  	_ = 	snop;
	(pc) =	sbr.rel @p0 .LBB2_2-.Ltmp1, $2  }
0x7a: {  	_ =	sdelay $0x2  }
0x7b: {  	s13 =	sadd.s32 $0x320, s13;
	s14 =	sadd.s32 $0x320, s14  }
0x7c: {  	s12 =	sadd.s32 $0x1, s12  }
0x7d: {  	p0 =	sne.s32 s12, s6  }
.Ltmp2:
0x7e: {  	_ = 	snop;
	(pc) =	sbr.rel @p0 .LBB2_1-.Ltmp2, $4  }
0x7f: {  	[hbm4b:s5+s2] =	stream.linear.scatter [tilespmem:s11], [sflag:$0x2], $0x6400, $0x38;
	[tilespmem:$0x10D00] =	vst v63  }
0x80: {  	_ =	swait.ge [sflag:s7], $0x6400  }
0x81: {  	[sflag:s7] =	ssyncset.done $0x0  }
0x82: {  	[sflag:s7] =	ssyncadd.s32 $0xFFFF9C00  }
0x83: {  	_ =	sfence.sel $0x180000  }
0x84: {  	[bflag:$0x0] =	sbarrier.arrive $0xFFFF  }
0x85: {  	p0 =	sne.s32 s0, $0x0;
	_ =	strace $0x90000047  }
0x86: {  	s0 =	sadd.s32 @!p0 $0x100000, s1;
	[bflag:$0x2] =	sbarrier.arrive $0xFFFF  }
0x87: {  	[sflag:s0] =	ssyncadd.tile.s32 @!p0 $0x1;
	_ =	shalt  }
.Lfunc_end2:
_tile_overlayer_lowered:
.L_overlay_start_2:
0x88: {  	(tag) =	ssettag $0x2  }
0x89: {  	s0 =	rddreg [dreg:$0x0];
	s2 =	stileid.u32  }
0x8a: {  	s1 =	rddreg [dreg:$0x1];
	p0 =	sne.s32 s2, $0x0  }
0x8b: {  	s3 =	rddreg [dreg:$0x2];
	[bflag:$0x3] =	sbarrier.arrive $0xFFFF;
	s2 =	simm.s32 @!p0 $0x1C02  }
0x8c: {  	[timem:s3], [sflag:s2] =	dma.local @!p0 [hbm:s0], s1  }
0x8d: {  	s0 =	simm.s32 @!p0 $0x2  }
0x8e: {  	_ =	swait.ge @!p0 [sflag:s0], s1  }
0x8f: {  	s1 =	ssub.s32 @!p0 $0x0, s1;
	[sflag:s0] =	ssyncset.done @!p0 $0x0  }
0x90: {  	[sflag:s0] =	ssyncadd.s32 @!p0 s1  }
0x91: {  	[bflag:$0x3] =	sbarrier.arrive $0xFFFF  }
0x92: {  	_ =	shalt  }

</sc_bundles>
